<compile_context>
chip_gen: v7x
topology: tpu7x:2x2x1
jax: 0.10.2.dev20260603
libtpu: 0.0.44.dev20260713+nightly
codegen_flags: <defaults>
</compile_context>

<pallas_src>
import functools

import jax
import jax.numpy as jnp
from jax import lax
from jax.experimental import pallas as pl
from jax.experimental.pallas import tpu as pltpu
from jax.experimental.pallas import tpu_sc as plsc

VOCAB = 1000
D = 4
DK = 8
VEC = 16
WCHUNK = 800


def _make_gather(n_tokens: int):
    info = plsc.get_sparse_core_info()
    nw = info.num_cores * info.num_subcores
    assert n_tokens % (nw * 2 * WCHUNK) == 0
    b_per_w = n_tokens // nw
    n_pair = b_per_w // (2 * WCHUNK)
    nvec = WCHUNK // VEC
    mesh = plsc.VectorSubcoreMesh(core_axis_name="c", subcore_axis_name="s")

    @functools.partial(
        pl.kernel,
        mesh=mesh,
        out_type=jax.ShapeDtypeStruct((DK, n_tokens), jnp.float32),
        compiler_params=pltpu.CompilerParams(use_tc_tiling_on_sc=False, needs_layout_passes=False),
        scratch_types=(
            [pltpu.VMEM((VOCAB * DK,), jnp.float32)]
            + [pltpu.VMEM((b_per_w,), jnp.int32)]
            + [pltpu.VMEM((DK, WCHUNK), jnp.float32) for _ in range(2)]
            + [pltpu.SemaphoreType.DMA] * 2
        ),
    )
    def gather_kernel(ids_hbm, emb_hbm, out_hbm, emb_v, ids_v, wb0, wb1,
                      l_sem, w_sem):
        wid = lax.axis_index("s") * info.num_cores + lax.axis_index("c")
        base = wid * b_per_w
        pltpu.async_copy(emb_hbm, emb_v, l_sem)
        pltpu.async_copy(ids_hbm.at[pl.ds(base, b_per_w)], ids_v, l_sem)
        pltpu.make_async_copy(emb_hbm, emb_v, l_sem).wait()
        pltpu.make_async_copy(ids_hbm.at[pl.ds(0, b_per_w)], ids_v,
                              l_sem).wait()

        def fill(cc, wb):
            def vec_body(v, carry):
                ids16 = ids_v[pl.ds(cc * WCHUNK + v * VEC, VEC)]
                flat = ids16 * DK
                for d in range(DK):
                    vals = plsc.load_gather(emb_v, [flat + d])
                    wb[d, pl.ds(v * VEC, VEC)] = vals
                return carry

            lax.fori_loop(0, nvec, vec_body, 0)

        def flush(cc, wb):
            pltpu.async_copy(
                wb, out_hbm.at[:, pl.ds(base + cc * WCHUNK, WCHUNK)], w_sem)

        def wb_drain(n):
            for _ in range(n):
                pltpu.make_async_copy(
                    wb0, out_hbm.at[:, pl.ds(0, WCHUNK)], w_sem).wait()

        def body(p, carry):
            @pl.when(p >= 1)
            def _():
                wb_drain(2)

            fill(2 * p, wb0)
            flush(2 * p, wb0)
            fill(2 * p + 1, wb1)
            flush(2 * p + 1, wb1)
            return carry

        lax.fori_loop(0, n_pair, body, 0)
        wb_drain(2)

    return gather_kernel


def _matmul_body(h_ref, w_ref, out_ref):
    blk = h_ref.shape[1]
    mm = lax.dot_general(
        w_ref[...], h_ref[...],
        dimension_numbers=(((1,), (0,)), ((), ())),
        preferred_element_type=jnp.float32,
    )
    out_ref[...] = mm.reshape(1, VOCAB, blk)


def _projection(ht, head8, b, t):
    blk = 2048
    nblk = b // blk
    return pl.pallas_call(
        _matmul_body,
        grid=(t, nblk),
        in_specs=[
            pl.BlockSpec((DK, blk), lambda ti, bi: (0, ti * nblk + bi)),
            pl.BlockSpec((VOCAB, DK), lambda ti, bi: (0, 0)),
        ],
        out_specs=pl.BlockSpec((1, VOCAB, blk), lambda ti, bi: (ti, 0, bi)),
        out_shape=jax.ShapeDtypeStruct((t, VOCAB, b), jnp.float32),
    )(ht, head8)


def kernel(input_ids, emb_weight, head_weight):
    b, t = input_ids.shape
    ids_flat = input_ids.astype(jnp.int32).T.reshape(-1)
    emb8 = jnp.pad(emb_weight, ((0, 0), (0, DK - D))).reshape(-1)
    head8 = jnp.pad(head_weight, ((0, 0), (0, DK - D)))
    ht = _make_gather(b * t)(ids_flat, emb8)
    y = _projection(ht, head8, b, t)
    return jnp.transpose(y, (2, 0, 1))

# --- scband reference (transcript-rebuilt; emitter-appended) ---
"""Pipeline reference for scband-tiny-lm-16484084483197 (READ-ONLY COPY).

The authoritative reference and input builder live on the scoring server;
editing this copy changes nothing except your own understanding.
"""

import jax, jax.numpy as jnp
import numpy as np

VOCAB = 1000
D = 4
B = 4096
T = 50

def setup_inputs(seed: int = 0) -> dict:
    key = jax.random.key(seed)
    k1, k2, k3 = jax.random.split(key, 3)
    input_ids = jax.random.randint(k1, (B, T), 0, VOCAB, dtype=jnp.int64 if jax.config.jax_enable_x64 else jnp.int32)
    emb_weight = jax.random.normal(k2, (VOCAB, D), dtype=jnp.float32)
    head_weight = jax.random.normal(k3, (VOCAB, D), dtype=jnp.float32) * 0.5
    return {"input_ids": input_ids, "emb_weight": emb_weight, "head_weight": head_weight}

def reference(input_ids, emb_weight, head_weight):
    # h = emb(input_ids): gather rows from embedding table
    h = jnp.take(emb_weight, input_ids, axis=0)  # [B, T, D]
    # logits = head(h): Linear(D, V, bias=False) => h @ W.T with W [V, D]
    logits = h @ head_weight.T  # [B, T, V]
    return logits

if __name__ == "__main__":
    import jax
    _d = setup_inputs()
    print(jax.jit(kernel)(*tuple(_d.values())))

</pallas_src>

<mosaic_0001>
#map = affine_map<(d0, d1) -> (0)>
#map1 = affine_map<(d0, d1) -> (0, 0)>
module attributes {stable_mosaic.version = 14 : i64} {
  func.func @gather_kernel(%arg0: i32, %arg1: i32, %arg2: memref<204800xi32, #tpu.memory_space<hbm>>, %arg3: memref<8000xf32, #tpu.memory_space<hbm>>, %arg4: memref<8x204800xf32, #tpu.memory_space<hbm>>, %arg5: memref<8000xf32, #tpu.memory_space<vmem>>, %arg6: memref<6400xi32, #tpu.memory_space<vmem>>, %arg7: memref<8x800xf32, #tpu.memory_space<vmem>>, %arg8: memref<8x800xf32, #tpu.memory_space<vmem>>, %arg9: memref<!tpu.dma_semaphore, #tpu.memory_space<semaphore_mem>>, %arg10: memref<!tpu.dma_semaphore, #tpu.memory_space<semaphore_mem>>) attributes {dimension_semantics = [#tpu.dimension_semantics<core_parallel>, #tpu.dimension_semantics<subcore_parallel>], iteration_bounds = array<i64: 2, 16>, scalar_prefetch = 0 : i64, scratch_operands = 6 : i64, tpu.core_type = #tpu.core_type<sc_vector_subcore>, window_params = [{transform_indices = #map}, {transform_indices = #map}, {transform_indices = #map1}]} {
    %mul3A = arith.constant 2 : i32
    %mul3A_0 = arith.muli %arg1, %mul3A : i32
    %add3A = arith.addi %mul3A_0, %arg0 : i32
    %mul3A_1 = arith.constant 6400 : i32
    %mul3A_2 = arith.muli %add3A, %mul3A_1 : i32
    tpu.enqueue_dma source(%arg3 : memref<8000xf32, #tpu.memory_space<hbm>>) target(%arg5 : memref<8000xf32, #tpu.memory_space<vmem>>) target_semaphore(%arg9 : memref<!tpu.dma_semaphore, #tpu.memory_space<semaphore_mem>>)
    %dma_start3A = tpu.memref_slice %arg2[%mul3A_2] : memref<204800xi32, #tpu.memory_space<hbm>> -> memref<6400xi32, #tpu.memory_space<hbm>>
    %dma_start3A_3 = tpu.memref_slice %arg2[%mul3A_2] : memref<204800xi32, #tpu.memory_space<hbm>> -> memref<6400xi32, #tpu.memory_space<hbm>>
    tpu.enqueue_dma source(%dma_start3A_3 : memref<6400xi32, #tpu.memory_space<hbm>>) target(%arg6 : memref<6400xi32, #tpu.memory_space<vmem>>) target_semaphore(%arg9 : memref<!tpu.dma_semaphore, #tpu.memory_space<semaphore_mem>>)
    tpu.wait_dma2 semaphore(%arg9 : memref<!tpu.dma_semaphore, #tpu.memory_space<semaphore_mem>>) src(%arg3 : memref<8000xf32, #tpu.memory_space<hbm>>) dst(%arg5 : memref<8000xf32, #tpu.memory_space<vmem>>)
    %dma_wait3A = arith.constant 0 : i32
    %dma_wait3A_4 = tpu.memref_slice %arg2[%dma_wait3A] : memref<204800xi32, #tpu.memory_space<hbm>> -> memref<6400xi32, #tpu.memory_space<hbm>>
    %dma_wait3A_5 = arith.constant 0 : i32
    %dma_wait3A_6 = tpu.memref_slice %arg2[%dma_wait3A_5] : memref<204800xi32, #tpu.memory_space<hbm>> -> memref<6400xi32, #tpu.memory_space<hbm>>
    tpu.wait_dma2 semaphore(%arg9 : memref<!tpu.dma_semaphore, #tpu.memory_space<semaphore_mem>>) src(%dma_wait3A_6 : memref<6400xi32, #tpu.memory_space<hbm>>) dst(%arg6 : memref<6400xi32, #tpu.memory_space<vmem>>)
    %scan3A = arith.constant 0 : i32
    %scan3A_7 = arith.constant 0 : i32
    %scan3A_8 = arith.constant 4 : i32
    %scan3A_9 = arith.addi %scan3A_7, %scan3A_8 : i32
    %scan3A_10 = arith.constant 1 : i32
    scf.for %scan3A_24 = %scan3A_7 to %scan3A_9 step %scan3A_10  : i32 {
      %ge3A = arith.constant 1 : i32
      %ge3A_25 = arith.cmpi sge, %scan3A_24, %ge3A : i32
      %convert_element_type3A = arith.extui %ge3A_25 : i1 to i32
      %cond3A = arith.constant 0 : i32
      %cond3A_26 = arith.cmpi ne, %convert_element_type3A, %cond3A : i32
      scf.if %cond3A_26 {
        %dma_wait3A_65 = arith.constant 0 : i32
        %dma_wait3A_66 = arith.constant 0 : i32
        %dma_wait3A_67 = tpu.memref_slice %arg4[%dma_wait3A_65, %dma_wait3A_66] : memref<8x204800xf32, #tpu.memory_space<hbm>> -> memref<8x800xf32, #tpu.memory_space<hbm>>
        %dma_wait3A_68 = arith.constant 0 : i32
        %dma_wait3A_69 = arith.constant 0 : i32
        %dma_wait3A_70 = tpu.memref_slice %arg4[%dma_wait3A_68, %dma_wait3A_69] : memref<8x204800xf32, #tpu.memory_space<hbm>> -> memref<8x800xf32, #tpu.memory_space<hbm>>
        tpu.wait_dma2 semaphore(%arg10 : memref<!tpu.dma_semaphore, #tpu.memory_space<semaphore_mem>>) src(%arg7 : memref<8x800xf32, #tpu.memory_space<vmem>>) dst(%dma_wait3A_70 : memref<8x800xf32, #tpu.memory_space<hbm>>)
        %dma_wait3A_71 = arith.constant 0 : i32
        %dma_wait3A_72 = arith.constant 0 : i32
        %dma_wait3A_73 = tpu.memref_slice %arg4[%dma_wait3A_71, %dma_wait3A_72] : memref<8x204800xf32, #tpu.memory_space<hbm>> -> memref<8x800xf32, #tpu.memory_space<hbm>>
        %dma_wait3A_74 = arith.constant 0 : i32
        %dma_wait3A_75 = arith.constant 0 : i32
        %dma_wait3A_76 = tpu.memref_slice %arg4[%dma_wait3A_74, %dma_wait3A_75] : memref<8x204800xf32, #tpu.memory_space<hbm>> -> memref<8x800xf32, #tpu.memory_space<hbm>>
        tpu.wait_dma2 semaphore(%arg10 : memref<!tpu.dma_semaphore, #tpu.memory_space<semaphore_mem>>) src(%arg7 : memref<8x800xf32, #tpu.memory_space<vmem>>) dst(%dma_wait3A_76 : memref<8x800xf32, #tpu.memory_space<hbm>>)
      } else {
      }
      %mul3A_27 = arith.constant 2 : i32
      %mul3A_28 = arith.muli %mul3A_27, %scan3A_24 : i32
      %scan3A_29 = arith.constant 0 : i32
      %scan3A_30 = arith.constant 0 : i32
      %scan3A_31 = arith.constant 50 : i32
      %scan3A_32 = arith.addi %scan3A_30, %scan3A_31 : i32
      %scan3A_33 = arith.constant 1 : i32
      scf.for %scan3A_65 = %scan3A_30 to %scan3A_32 step %scan3A_33  : i32 {
        %mul3A_66 = arith.constant 800 : i32
        %mul3A_67 = arith.muli %mul3A_28, %mul3A_66 : i32
        %mul3A_68 = arith.constant 16 : i32
        %mul3A_69 = arith.muli %scan3A_65, %mul3A_68 : i32
        %add3A_70 = arith.addi %mul3A_67, %mul3A_69 : i32
        %get3A = arith.index_cast %add3A_70 : i32 to index
        %get3A_71 = tpu.vector_load %arg6[%get3A] {strides = array<i32>} : memref<6400xi32, #tpu.memory_space<vmem>>, vector<16xi32>,
        %mul3A_72 = arith.constant 8 : i32
        %mul3A_73 = vector.broadcast %mul3A_72 : i32 to vector<16xi32>
        %mul3A_74 = arith.muli %get3A_71, %mul3A_73 : vector<16xi32>
        %add3A_75 = arith.constant 0 : i32
        %add3A_76 = vector.broadcast %add3A_75 : i32 to vector<16xi32>
        %add3A_77 = arith.addi %mul3A_74, %add3A_76 : vector<16xi32>
        %gather3A = tpu.vector_load_idx %arg5[%add3A_77] : memref<8000xf32, #tpu.memory_space<vmem>>[vector<16xi32>], vector<16xf32>,
        %mul3A_78 = arith.constant 16 : i32
        %mul3A_79 = arith.muli %scan3A_65, %mul3A_78 : i32
        %swap3A = arith.constant 0 : i32
        %swap3A_80 = arith.index_cast %swap3A : i32 to index
        %swap3A_81 = arith.index_cast %mul3A_79 : i32 to index
        %swap3A_82 = tpu.vector_load %arg7[%swap3A_80, %swap3A_81] {strides = array<i32>} : memref<8x800xf32, #tpu.memory_space<vmem>>, vector<16xf32>,
        tpu.vector_store %arg7[%swap3A_80, %swap3A_81], %gather3A {strides = array<i32>} : memref<8x800xf32, #tpu.memory_space<vmem>>, vector<16xf32>,
        %add3A_83 = arith.constant 1 : i32
        %add3A_84 = vector.broadcast %add3A_83 : i32 to vector<16xi32>
        %add3A_85 = arith.addi %mul3A_74, %add3A_84 : vector<16xi32>
        %gather3A_86 = tpu.vector_load_idx %arg5[%add3A_85] : memref<8000xf32, #tpu.memory_space<vmem>>[vector<16xi32>], vector<16xf32>,
        %mul3A_87 = arith.constant 16 : i32
        %mul3A_88 = arith.muli %scan3A_65, %mul3A_87 : i32
        %swap3A_89 = arith.constant 1 : i32
        %swap3A_90 = arith.index_cast %swap3A_89 : i32 to index
        %swap3A_91 = arith.index_cast %mul3A_88 : i32 to index
        %swap3A_92 = tpu.vector_load %arg7[%swap3A_90, %swap3A_91] {strides = array<i32>} : memref<8x800xf32, #tpu.memory_space<vmem>>, vector<16xf32>,
        tpu.vector_store %arg7[%swap3A_90, %swap3A_91], %gather3A_86 {strides = array<i32>} : memref<8x800xf32, #tpu.memory_space<vmem>>, vector<16xf32>,
        %add3A_93 = arith.constant 2 : i32
        %add3A_94 = vector.broadcast %add3A_93 : i32 to vector<16xi32>
        %add3A_95 = arith.addi %mul3A_74, %add3A_94 : vector<16xi32>
        %gather3A_96 = tpu.vector_load_idx %arg5[%add3A_95] : memref<8000xf32, #tpu.memory_space<vmem>>[vector<16xi32>], vector<16xf32>,
        %mul3A_97 = arith.constant 16 : i32
        %mul3A_98 = arith.muli %scan3A_65, %mul3A_97 : i32
        %swap3A_99 = arith.constant 2 : i32
        %swap3A_100 = arith.index_cast %swap3A_99 : i32 to index
        %swap3A_101 = arith.index_cast %mul3A_98 : i32 to index
        %swap3A_102 = tpu.vector_load %arg7[%swap3A_100, %swap3A_101] {strides = array<i32>} : memref<8x800xf32, #tpu.memory_space<vmem>>, vector<16xf32>,
        tpu.vector_store %arg7[%swap3A_100, %swap3A_101], %gather3A_96 {strides = array<i32>} : memref<8x800xf32, #tpu.memory_space<vmem>>, vector<16xf32>,
        %add3A_103 = arith.constant 3 : i32
        %add3A_104 = vector.broadcast %add3A_103 : i32 to vector<16xi32>
        %add3A_105 = arith.addi %mul3A_74, %add3A_104 : vector<16xi32>
        %gather3A_106 = tpu.vector_load_idx %arg5[%add3A_105] : memref<8000xf32, #tpu.memory_space<vmem>>[vector<16xi32>], vector<16xf32>,
        %mul3A_107 = arith.constant 16 : i32
        %mul3A_108 = arith.muli %scan3A_65, %mul3A_107 : i32
        %swap3A_109 = arith.constant 3 : i32
        %swap3A_110 = arith.index_cast %swap3A_109 : i32 to index
        %swap3A_111 = arith.index_cast %mul3A_108 : i32 to index
        %swap3A_112 = tpu.vector_load %arg7[%swap3A_110, %swap3A_111] {strides = array<i32>} : memref<8x800xf32, #tpu.memory_space<vmem>>, vector<16xf32>,
        tpu.vector_store %arg7[%swap3A_110, %swap3A_111], %gather3A_106 {strides = array<i32>} : memref<8x800xf32, #tpu.memory_space<vmem>>, vector<16xf32>,
        %add3A_113 = arith.constant 4 : i32
        %add3A_114 = vector.broadcast %add3A_113 : i32 to vector<16xi32>
        %add3A_115 = arith.addi %mul3A_74, %add3A_114 : vector<16xi32>
        %gather3A_116 = tpu.vector_load_idx %arg5[%add3A_115] : memref<8000xf32, #tpu.memory_space<vmem>>[vector<16xi32>], vector<16xf32>,
        %mul3A_117 = arith.constant 16 : i32
        %mul3A_118 = arith.muli %scan3A_65, %mul3A_117 : i32
        %swap3A_119 = arith.constant 4 : i32
        %swap3A_120 = arith.index_cast %swap3A_119 : i32 to index
        %swap3A_121 = arith.index_cast %mul3A_118 : i32 to index
        %swap3A_122 = tpu.vector_load %arg7[%swap3A_120, %swap3A_121] {strides = array<i32>} : memref<8x800xf32, #tpu.memory_space<vmem>>, vector<16xf32>,
        tpu.vector_store %arg7[%swap3A_120, %swap3A_121], %gather3A_116 {strides = array<i32>} : memref<8x800xf32, #tpu.memory_space<vmem>>, vector<16xf32>,
        %add3A_123 = arith.constant 5 : i32
        %add3A_124 = vector.broadcast %add3A_123 : i32 to vector<16xi32>
        %add3A_125 = arith.addi %mul3A_74, %add3A_124 : vector<16xi32>
        %gather3A_126 = tpu.vector_load_idx %arg5[%add3A_125] : memref<8000xf32, #tpu.memory_space<vmem>>[vector<16xi32>], vector<16xf32>,
        %mul3A_127 = arith.constant 16 : i32
        %mul3A_128 = arith.muli %scan3A_65, %mul3A_127 : i32
        %swap3A_129 = arith.constant 5 : i32
        %swap3A_130 = arith.index_cast %swap3A_129 : i32 to index
        %swap3A_131 = arith.index_cast %mul3A_128 : i32 to index
        %swap3A_132 = tpu.vector_load %arg7[%swap3A_130, %swap3A_131] {strides = array<i32>} : memref<8x800xf32, #tpu.memory_space<vmem>>, vector<16xf32>,
        tpu.vector_store %arg7[%swap3A_130, %swap3A_131], %gather3A_126 {strides = array<i32>} : memref<8x800xf32, #tpu.memory_space<vmem>>, vector<16xf32>,
        %add3A_133 = arith.constant 6 : i32
        %add3A_134 = vector.broadcast %add3A_133 : i32 to vector<16xi32>
        %add3A_135 = arith.addi %mul3A_74, %add3A_134 : vector<16xi32>
        %gather3A_136 = tpu.vector_load_idx %arg5[%add3A_135] : memref<8000xf32, #tpu.memory_space<vmem>>[vector<16xi32>], vector<16xf32>,
        %mul3A_137 = arith.constant 16 : i32
        %mul3A_138 = arith.muli %scan3A_65, %mul3A_137 : i32
        %swap3A_139 = arith.constant 6 : i32
        %swap3A_140 = arith.index_cast %swap3A_139 : i32 to index
        %swap3A_141 = arith.index_cast %mul3A_138 : i32 to index
        %swap3A_142 = tpu.vector_load %arg7[%swap3A_140, %swap3A_141] {strides = array<i32>} : memref<8x800xf32, #tpu.memory_space<vmem>>, vector<16xf32>,
        tpu.vector_store %arg7[%swap3A_140, %swap3A_141], %gather3A_136 {strides = array<i32>} : memref<8x800xf32, #tpu.memory_space<vmem>>, vector<16xf32>,
        %add3A_143 = arith.constant 7 : i32
        %add3A_144 = vector.broadcast %add3A_143 : i32 to vector<16xi32>
        %add3A_145 = arith.addi %mul3A_74, %add3A_144 : vector<16xi32>
        %gather3A_146 = tpu.vector_load_idx %arg5[%add3A_145] : memref<8000xf32, #tpu.memory_space<vmem>>[vector<16xi32>], vector<16xf32>,
        %mul3A_147 = arith.constant 16 : i32
        %mul3A_148 = arith.muli %scan3A_65, %mul3A_147 : i32
        %swap3A_149 = arith.constant 7 : i32
        %swap3A_150 = arith.index_cast %swap3A_149 : i32 to index
        %swap3A_151 = arith.index_cast %mul3A_148 : i32 to index
        %swap3A_152 = tpu.vector_load %arg7[%swap3A_150, %swap3A_151] {strides = array<i32>} : memref<8x800xf32, #tpu.memory_space<vmem>>, vector<16xf32>,
        tpu.vector_store %arg7[%swap3A_150, %swap3A_151], %gather3A_146 {strides = array<i32>} : memref<8x800xf32, #tpu.memory_space<vmem>>, vector<16xf32>,
      }
      %scan3A_34 = arith.constant 50 : i32
      %mul3A_35 = arith.constant 2 : i32
      %mul3A_36 = arith.muli %mul3A_35, %scan3A_24 : i32
      %mul3A_37 = arith.constant 800 : i32
      %mul3A_38 = arith.muli %mul3A_36, %mul3A_37 : i32
      %add3A_39 = arith.addi %mul3A_2, %mul3A_38 : i32
      %dma_start3A_40 = arith.constant 0 : i32
      %dma_start3A_41 = tpu.memref_slice %arg4[%dma_start3A_40, %add3A_39] : memref<8x204800xf32, #tpu.memory_space<hbm>> -> memref<8x800xf32, #tpu.memory_space<hbm>>
      %dma_start3A_42 = arith.constant 0 : i32
      %dma_start3A_43 = tpu.memref_slice %arg4[%dma_start3A_42, %add3A_39] : memref<8x204800xf32, #tpu.memory_space<hbm>> -> memref<8x800xf32, #tpu.memory_space<hbm>>
      tpu.enqueue_dma source(%arg7 : memref<8x800xf32, #tpu.memory_space<vmem>>) target(%dma_start3A_43 : memref<8x800xf32, #tpu.memory_space<hbm>>) target_semaphore(%arg10 : memref<!tpu.dma_semaphore, #tpu.memory_space<semaphore_mem>>)
      %mul3A_44 = arith.constant 2 : i32
      %mul3A_45 = arith.muli %mul3A_44, %scan3A_24 : i32
      %add3A_46 = arith.constant 1 : i32
      %add3A_47 = arith.addi %mul3A_45, %add3A_46 : i32
      %scan3A_48 = arith.constant 0 : i32
      %scan3A_49 = arith.constant 0 : i32
      %scan3A_50 = arith.constant 50 : i32
      %scan3A_51 = arith.addi %scan3A_49, %scan3A_50 : i32
      %scan3A_52 = arith.constant 1 : i32
      scf.for %scan3A_65 = %scan3A_49 to %scan3A_51 step %scan3A_52  : i32 {
        %mul3A_66 = arith.constant 800 : i32
        %mul3A_67 = arith.muli %add3A_47, %mul3A_66 : i32
        %mul3A_68 = arith.constant 16 : i32
        %mul3A_69 = arith.muli %scan3A_65, %mul3A_68 : i32
        %add3A_70 = arith.addi %mul3A_67, %mul3A_69 : i32
        %get3A = arith.index_cast %add3A_70 : i32 to index
        %get3A_71 = tpu.vector_load %arg6[%get3A] {strides = array<i32>} : memref<6400xi32, #tpu.memory_space<vmem>>, vector<16xi32>,
        %mul3A_72 = arith.constant 8 : i32
        %mul3A_73 = vector.broadcast %mul3A_72 : i32 to vector<16xi32>
        %mul3A_74 = arith.muli %get3A_71, %mul3A_73 : vector<16xi32>
        %add3A_75 = arith.constant 0 : i32
        %add3A_76 = vector.broadcast %add3A_75 : i32 to vector<16xi32>
        %add3A_77 = arith.addi %mul3A_74, %add3A_76 : vector<16xi32>
        %gather3A = tpu.vector_load_idx %arg5[%add3A_77] : memref<8000xf32, #tpu.memory_space<vmem>>[vector<16xi32>], vector<16xf32>,
        %mul3A_78 = arith.constant 16 : i32
        %mul3A_79 = arith.muli %scan3A_65, %mul3A_78 : i32
        %swap3A = arith.constant 0 : i32
        %swap3A_80 = arith.index_cast %swap3A : i32 to index
        %swap3A_81 = arith.index_cast %mul3A_79 : i32 to index
        %swap3A_82 = tpu.vector_load %arg8[%swap3A_80, %swap3A_81] {strides = array<i32>} : memref<8x800xf32, #tpu.memory_space<vmem>>, vector<16xf32>,
        tpu.vector_store %arg8[%swap3A_80, %swap3A_81], %gather3A {strides = array<i32>} : memref<8x800xf32, #tpu.memory_space<vmem>>, vector<16xf32>,
        %add3A_83 = arith.constant 1 : i32
        %add3A_84 = vector.broadcast %add3A_83 : i32 to vector<16xi32>
        %add3A_85 = arith.addi %mul3A_74, %add3A_84 : vector<16xi32>
        %gather3A_86 = tpu.vector_load_idx %arg5[%add3A_85] : memref<8000xf32, #tpu.memory_space<vmem>>[vector<16xi32>], vector<16xf32>,
        %mul3A_87 = arith.constant 16 : i32
        %mul3A_88 = arith.muli %scan3A_65, %mul3A_87 : i32
        %swap3A_89 = arith.constant 1 : i32
        %swap3A_90 = arith.index_cast %swap3A_89 : i32 to index
        %swap3A_91 = arith.index_cast %mul3A_88 : i32 to index
        %swap3A_92 = tpu.vector_load %arg8[%swap3A_90, %swap3A_91] {strides = array<i32>} : memref<8x800xf32, #tpu.memory_space<vmem>>, vector<16xf32>,
        tpu.vector_store %arg8[%swap3A_90, %swap3A_91], %gather3A_86 {strides = array<i32>} : memref<8x800xf32, #tpu.memory_space<vmem>>, vector<16xf32>,
        %add3A_93 = arith.constant 2 : i32
        %add3A_94 = vector.broadcast %add3A_93 : i32 to vector<16xi32>
        %add3A_95 = arith.addi %mul3A_74, %add3A_94 : vector<16xi32>
        %gather3A_96 = tpu.vector_load_idx %arg5[%add3A_95] : memref<8000xf32, #tpu.memory_space<vmem>>[vector<16xi32>], vector<16xf32>,
        %mul3A_97 = arith.constant 16 : i32
        %mul3A_98 = arith.muli %scan3A_65, %mul3A_97 : i32
        %swap3A_99 = arith.constant 2 : i32
        %swap3A_100 = arith.index_cast %swap3A_99 : i32 to index
        %swap3A_101 = arith.index_cast %mul3A_98 : i32 to index
        %swap3A_102 = tpu.vector_load %arg8[%swap3A_100, %swap3A_101] {strides = array<i32>} : memref<8x800xf32, #tpu.memory_space<vmem>>, vector<16xf32>,
        tpu.vector_store %arg8[%swap3A_100, %swap3A_101], %gather3A_96 {strides = array<i32>} : memref<8x800xf32, #tpu.memory_space<vmem>>, vector<16xf32>,
        %add3A_103 = arith.constant 3 : i32
        %add3A_104 = vector.broadcast %add3A_103 : i32 to vector<16xi32>
        %add3A_105 = arith.addi %mul3A_74, %add3A_104 : vector<16xi32>
        %gather3A_106 = tpu.vector_load_idx %arg5[%add3A_105] : memref<8000xf32, #tpu.memory_space<vmem>>[vector<16xi32>], vector<16xf32>,
        %mul3A_107 = arith.constant 16 : i32
        %mul3A_108 = arith.muli %scan3A_65, %mul3A_107 : i32
        %swap3A_109 = arith.constant 3 : i32
        %swap3A_110 = arith.index_cast %swap3A_109 : i32 to index
        %swap3A_111 = arith.index_cast %mul3A_108 : i32 to index
        %swap3A_112 = tpu.vector_load %arg8[%swap3A_110, %swap3A_111] {strides = array<i32>} : memref<8x800xf32, #tpu.memory_space<vmem>>, vector<16xf32>,
        tpu.vector_store %arg8[%swap3A_110, %swap3A_111], %gather3A_106 {strides = array<i32>} : memref<8x800xf32, #tpu.memory_space<vmem>>, vector<16xf32>,
        %add3A_113 = arith.constant 4 : i32
        %add3A_114 = vector.broadcast %add3A_113 : i32 to vector<16xi32>
        %add3A_115 = arith.addi %mul3A_74, %add3A_114 : vector<16xi32>
        %gather3A_116 = tpu.vector_load_idx %arg5[%add3A_115] : memref<8000xf32, #tpu.memory_space<vmem>>[vector<16xi32>], vector<16xf32>,
        %mul3A_117 = arith.constant 16 : i32
        %mul3A_118 = arith.muli %scan3A_65, %mul3A_117 : i32
        %swap3A_119 = arith.constant 4 : i32
        %swap3A_120 = arith.index_cast %swap3A_119 : i32 to index
        %swap3A_121 = arith.index_cast %mul3A_118 : i32 to index
        %swap3A_122 = tpu.vector_load %arg8[%swap3A_120, %swap3A_121] {strides = array<i32>} : memref<8x800xf32, #tpu.memory_space<vmem>>, vector<16xf32>,
        tpu.vector_store %arg8[%swap3A_120, %swap3A_121], %gather3A_116 {strides = array<i32>} : memref<8x800xf32, #tpu.memory_space<vmem>>, vector<16xf32>,
        %add3A_123 = arith.constant 5 : i32
        %add3A_124 = vector.broadcast %add3A_123 : i32 to vector<16xi32>
        %add3A_125 = arith.addi %mul3A_74, %add3A_124 : vector<16xi32>
        %gather3A_126 = tpu.vector_load_idx %arg5[%add3A_125] : memref<8000xf32, #tpu.memory_space<vmem>>[vector<16xi32>], vector<16xf32>,
        %mul3A_127 = arith.constant 16 : i32
        %mul3A_128 = arith.muli %scan3A_65, %mul3A_127 : i32
        %swap3A_129 = arith.constant 5 : i32
        %swap3A_130 = arith.index_cast %swap3A_129 : i32 to index
        %swap3A_131 = arith.index_cast %mul3A_128 : i32 to index
        %swap3A_132 = tpu.vector_load %arg8[%swap3A_130, %swap3A_131] {strides = array<i32>} : memref<8x800xf32, #tpu.memory_space<vmem>>, vector<16xf32>,
        tpu.vector_store %arg8[%swap3A_130, %swap3A_131], %gather3A_126 {strides = array<i32>} : memref<8x800xf32, #tpu.memory_space<vmem>>, vector<16xf32>,
        %add3A_133 = arith.constant 6 : i32
        %add3A_134 = vector.broadcast %add3A_133 : i32 to vector<16xi32>
        %add3A_135 = arith.addi %mul3A_74, %add3A_134 : vector<16xi32>
        %gather3A_136 = tpu.vector_load_idx %arg5[%add3A_135] : memref<8000xf32, #tpu.memory_space<vmem>>[vector<16xi32>], vector<16xf32>,
        %mul3A_137 = arith.constant 16 : i32
        %mul3A_138 = arith.muli %scan3A_65, %mul3A_137 : i32
        %swap3A_139 = arith.constant 6 : i32
        %swap3A_140 = arith.index_cast %swap3A_139 : i32 to index
        %swap3A_141 = arith.index_cast %mul3A_138 : i32 to index
        %swap3A_142 = tpu.vector_load %arg8[%swap3A_140, %swap3A_141] {strides = array<i32>} : memref<8x800xf32, #tpu.memory_space<vmem>>, vector<16xf32>,
        tpu.vector_store %arg8[%swap3A_140, %swap3A_141], %gather3A_136 {strides = array<i32>} : memref<8x800xf32, #tpu.memory_space<vmem>>, vector<16xf32>,
        %add3A_143 = arith.constant 7 : i32
        %add3A_144 = vector.broadcast %add3A_143 : i32 to vector<16xi32>
        %add3A_145 = arith.addi %mul3A_74, %add3A_144 : vector<16xi32>
        %gather3A_146 = tpu.vector_load_idx %arg5[%add3A_145] : memref<8000xf32, #tpu.memory_space<vmem>>[vector<16xi32>], vector<16xf32>,
        %mul3A_147 = arith.constant 16 : i32
        %mul3A_148 = arith.muli %scan3A_65, %mul3A_147 : i32
        %swap3A_149 = arith.constant 7 : i32
        %swap3A_150 = arith.index_cast %swap3A_149 : i32 to index
        %swap3A_151 = arith.index_cast %mul3A_148 : i32 to index
        %swap3A_152 = tpu.vector_load %arg8[%swap3A_150, %swap3A_151] {strides = array<i32>} : memref<8x800xf32, #tpu.memory_space<vmem>>, vector<16xf32>,
        tpu.vector_store %arg8[%swap3A_150, %swap3A_151], %gather3A_146 {strides = array<i32>} : memref<8x800xf32, #tpu.memory_space<vmem>>, vector<16xf32>,
      }
      %scan3A_53 = arith.constant 50 : i32
      %mul3A_54 = arith.constant 2 : i32
      %mul3A_55 = arith.muli %mul3A_54, %scan3A_24 : i32
      %add3A_56 = arith.constant 1 : i32
      %add3A_57 = arith.addi %mul3A_55, %add3A_56 : i32
      %mul3A_58 = arith.constant 800 : i32
      %mul3A_59 = arith.muli %add3A_57, %mul3A_58 : i32
      %add3A_60 = arith.addi %mul3A_2, %mul3A_59 : i32
      %dma_start3A_61 = arith.constant 0 : i32
      %dma_start3A_62 = tpu.memref_slice %arg4[%dma_start3A_61, %add3A_60] : memref<8x204800xf32, #tpu.memory_space<hbm>> -> memref<8x800xf32, #tpu.memory_space<hbm>>
      %dma_start3A_63 = arith.constant 0 : i32
      %dma_start3A_64 = tpu.memref_slice %arg4[%dma_start3A_63, %add3A_60] : memref<8x204800xf32, #tpu.memory_space<hbm>> -> memref<8x800xf32, #tpu.memory_space<hbm>>
      tpu.enqueue_dma source(%arg8 : memref<8x800xf32, #tpu.memory_space<vmem>>) target(%dma_start3A_64 : memref<8x800xf32, #tpu.memory_space<hbm>>) target_semaphore(%arg10 : memref<!tpu.dma_semaphore, #tpu.memory_space<semaphore_mem>>)
    }
    %scan3A_11 = arith.constant 4 : i32
    %dma_wait3A_12 = arith.constant 0 : i32
    %dma_wait3A_13 = arith.constant 0 : i32
    %dma_wait3A_14 = tpu.memref_slice %arg4[%dma_wait3A_12, %dma_wait3A_13] : memref<8x204800xf32, #tpu.memory_space<hbm>> -> memref<8x800xf32, #tpu.memory_space<hbm>>
    %dma_wait3A_15 = arith.constant 0 : i32
    %dma_wait3A_16 = arith.constant 0 : i32
    %dma_wait3A_17 = tpu.memref_slice %arg4[%dma_wait3A_15, %dma_wait3A_16] : memref<8x204800xf32, #tpu.memory_space<hbm>> -> memref<8x800xf32, #tpu.memory_space<hbm>>
    tpu.wait_dma2 semaphore(%arg10 : memref<!tpu.dma_semaphore, #tpu.memory_space<semaphore_mem>>) src(%arg7 : memref<8x800xf32, #tpu.memory_space<vmem>>) dst(%dma_wait3A_17 : memref<8x800xf32, #tpu.memory_space<hbm>>)
    %dma_wait3A_18 = arith.constant 0 : i32
    %dma_wait3A_19 = arith.constant 0 : i32
    %dma_wait3A_20 = tpu.memref_slice %arg4[%dma_wait3A_18, %dma_wait3A_19] : memref<8x204800xf32, #tpu.memory_space<hbm>> -> memref<8x800xf32, #tpu.memory_space<hbm>>
    %dma_wait3A_21 = arith.constant 0 : i32
    %dma_wait3A_22 = arith.constant 0 : i32
    %dma_wait3A_23 = tpu.memref_slice %arg4[%dma_wait3A_21, %dma_wait3A_22] : memref<8x204800xf32, #tpu.memory_space<hbm>> -> memref<8x800xf32, #tpu.memory_space<hbm>>
    tpu.wait_dma2 semaphore(%arg10 : memref<!tpu.dma_semaphore, #tpu.memory_space<semaphore_mem>>) src(%arg7 : memref<8x800xf32, #tpu.memory_space<vmem>>) dst(%dma_wait3A_23 : memref<8x800xf32, #tpu.memory_space<hbm>>)
    return
  }
}

module attributes {stable_mosaic.version = 14 : i64} {
  func.func @_matmul_body(%arg0: i32, %arg1: i32, %arg2: memref<8x2048xf32, #tpu.memory_space<vmem>>, %arg3: memref<1000x8xf32, #tpu.memory_space<vmem>>, %arg4: memref<1x1000x2048xf32, #tpu.memory_space<vmem>>) attributes {dimension_semantics = [#tpu.dimension_semantics<arbitrary>, #tpu.dimension_semantics<arbitrary>], iteration_bounds = array<i64: 50, 2>, scalar_prefetch = 0 : i64, scratch_operands = 0 : i64, tpu.core_type = #tpu.core_type<tc>, window_params = [{transform_indices = @transform_0, window_bounds = array<i64: 8, 2048>}, {pipeline_mode = #tpu.pipeline_mode<synchronous>, transform_indices = @transform_1, window_bounds = array<i64: 1000, 8>}, {transform_indices = @transform_2, window_bounds = array<i64: 1, 1000, 2048>}]} {
    %get3A = arith.constant 0 : index
    %get3A_0 = arith.constant 0 : index
    %get3A_1 = vector.load %arg3[%get3A, %get3A_0] : memref<1000x8xf32, #tpu.memory_space<vmem>>, vector<1000x8xf32>
    %get3A_2 = arith.constant 0 : index
    %get3A_3 = arith.constant 0 : index
    %get3A_4 = vector.load %arg2[%get3A_2, %get3A_3] : memref<8x2048xf32, #tpu.memory_space<vmem>>, vector<8x2048xf32>
    %dot_general3A = arith.constant dense<0.000000e+00> : vector<1000x2048xf32>
    %dot_general3A_5 = tpu.matmul %get3A_1, %get3A_4, %dot_general3A {dimension_numbers = #tpu.dot_dimension_numbers<[1], [0], [0], [1], [0, 0, 1, 1], [], []>, transpose_lhs_hint = false} : vector<1000x8xf32>, vector<8x2048xf32>, vector<1000x2048xf32> -> vector<1000x2048xf32>
    %reshape3A = vector.shape_cast %dot_general3A_5 : vector<1000x2048xf32> to vector<1x1000x2048xf32>
    %swap3A = arith.constant 0 : index
    %swap3A_6 = arith.constant 0 : index
    %swap3A_7 = arith.constant 0 : index
    %swap3A_8 = vector.load %arg4[%swap3A, %swap3A_6, %swap3A_7] : memref<1x1000x2048xf32, #tpu.memory_space<vmem>>, vector<1x1000x2048xf32>
    tpu.vector_store %arg4[%swap3A, %swap3A_6, %swap3A_7], %reshape3A {strides = array<i32>} : memref<1x1000x2048xf32, #tpu.memory_space<vmem>>, vector<1x1000x2048xf32>,
    return
  }
  func.func @transform_0(%arg0: i32, %arg1: i32) -> (i32, i32) {
    %mul3A = arith.constant 2 : i32
    %mul3A_0 = arith.muli %arg0, %mul3A : i32
    %add3A = arith.addi %mul3A_0, %arg1 : i32
    %c0_i32 = arith.constant 0 : i32
    %c0_i32_1 = arith.constant 0 : i32
    return %c0_i32, %add3A : i32, i32
  }
  func.func @transform_1(%arg0: i32, %arg1: i32) -> (i32, i32) {
    %c0_i32 = arith.constant 0 : i32
    %c0_i32_0 = arith.constant 0 : i32
    %c0_i32_1 = arith.constant 0 : i32
    return %c0_i32, %c0_i32_0 : i32, i32
  }
  func.func @transform_2(%arg0: i32, %arg1: i32) -> (i32, i32, i32) {
    %c0_i32 = arith.constant 0 : i32
    %c0_i32_0 = arith.constant 0 : i32
    return %arg0, %c0_i32, %arg1 : i32, i32, i32
  }
}

</mosaic_0001>

<sc_bundles>
// kernel: kernel.4.cloned.1.call-start
scs
__scs_entry_jumppad:
0x0: {  	(pc) =	sbr.rel $0x88, $3  }
0x1: {  	(tag) =	ssettag $0x0;
	lr =	simm.s32 $0x1  }
0x2: {  	[smem:$0x3F9E] =	sst lr;
	_ =	strace $0xD0000000  }
0x3: {  	_ = 	snop  }
0x4: {  	_ = 	snop  }
0x5: {  	_ = 	snop  }
0x6: {  	_ = 	snop  }
0x7: {  	_ = 	snop  }
__scs_overlays_trampoline_lowered:
0x8: {  	[smem:$0x3FAD] =	sst s0  }
0x9: {  	[smem:$0x3FAE] =	sst s1  }
0xa: {  	[smem:$0x3FAF] =	sst s2  }
0xb: {  	[smem:$0x3FB0] =	sst s3  }
0xc: {  	[smem:$0x3FB1] =	sst s4  }
0xd: {  	[smem:$0x3FB2] =	sst s5  }
0xe: {  	[smem:$0x3FB3] =	sst s6  }
0xf: {  	[smem:$0x3FB4] =	sst s7  }
0x10: {  	[smem:$0x3FB5] =	sst s8  }
0x11: {  	[smem:$0x3FB6] =	sst s9;
	s0 =	simm.s32 @!p0 $0x0  }
0x12: {  	s1 =	sld [smem:$0x3F9C];
	s0 =	simm.s32 @p0 $0x1  }
0x13: {  	[smem:$0x3FB7] =	sst s0;
	s0 =	simm.s32 @!p1 $0x0  }
0x14: {  	s2 =	sld [smem:$0x3F9B];
	s0 =	simm.s32 @p1 $0x1  }
0x15: {  	[smem:$0x3FB8] =	sst s0;
	s0 =	simm.s32 @!p2 $0x0  }
0x16: {  	s3 =	sld [smem:$0x3FDB];
	s0 =	simm.s32 @p2 $0x1  }
0x17: {  	s4 =	simm.s32 $0x1BF5;
	[smem:$0x3FBA] =	sst s0  }
0x18: {  	s0 =	sld [smem:$0x3F9D];
	_ =	swait.ge [sflag:s4], $0x0  }
0x19: {  	s7 =	sld [smem:$0x3F9E]  }
0x1a: {  	s8 =	sadd.s32 $0xFFFFE003, lr  }
0x1b: {  	s9 =	sadd.s32 $0xFFFFFEF7, lr;
	s5 =	simm.s32 $0xFFFFFFFF;
	p2 =	slt.u32 s8, $0xFFFFF086  }
0x1c: {  	p1 =	slt.u32 s9, $0xF7A;
	s5 =	simm.s32 @!p2 $0x0  }
0x1d: {  	s5 =	simm.s32 @p1 $0x1;
	p0 =	seq.s32 s7, s2  }
0x1e: {  	s7 =	smul.u32 @!p0 $0xF7A, s2;
	p2 =	seq.s32 @!p0 s5, $0x0  }
0x1f: {  	s9 =	smul.u32 $0xF7A, s1;
	s8 =	simm.s32 @!p0 $0x1BF5;
	p2 =	por !p2, p0  }
0x20: {  	[sflag:s8] =	ssyncset.s32 @!p0 $0xFFFFF086;
	s6 =	sadd.s32 @!p0 s3, s7;
	s7 =	simm.s32 @!p0 $0x108  }
0x21: {  	s3 =	sadd.s32 s3, s9;
	s6 =	sadd.s32 @!p0 $0x88, s6;
	s7 =	simm.s32 @p2 $0x1082  }
0x22: {  	[simem:s7], [sflag:s8] =	dma.local @!p0 [hbm:s6], $0xF7A  }
0x23: {  	s9 =	sor.u32 $0xD0000000, s2;
	s6 =	simm.s32 $0x108;
	_ =	swait.ge @!p0 [sflag:s8], $0x0  }
0x24: {  	s3 =	sadd.s32 $0x88, s3;
	s6 =	simm.s32 @!p1 $0x1082;
	[sflag:s4] =	ssyncset.s32 $0xFFFFF086  }
0x25: {  	[simem:s6], [sflag:s4] =	dma.local [hbm:s3], $0xF7A  }
0x26: {  	[smem:$0x3F9E] =	sst s1;
	(tag) =	ssettag s2;
	_ =	strace s9  }
0x27: {  	s1 =	sld [smem:$0x3FAE]  }
0x28: {  	s2 =	sld [smem:$0x3FAF]  }
0x29: {  	s4 =	sld [smem:$0x3FB1]  }
0x2a: {  	p0 =	seq.s32 s5, $0x0;
	s5 =	sld [smem:$0x3FB2]  }
0x2b: {  	s6 =	sld [smem:$0x3FB3]  }
0x2c: {  	s7 =	sld [smem:$0x3FB4]  }
0x2d: {  	s3 =	simm.s32 $0x108;
	s8 =	sld [smem:$0x3FB5]  }
0x2e: {  	s3 =	simm.s32 @!p0 $0x1082;
	s9 =	sld [smem:$0x3FB6]  }
0x2f: {  	lr =	sadd.s32 s0, s3;
	s0 =	sld [smem:$0x3FAD]  }
0x30: {  	s3 =	sld [smem:$0x3FB0]  }
0x31: {  	[smem:$0x3FB9] =	sst s10  }
0x32: {  	s10 =	sld [smem:$0x3FB7];
	_ =	sdelay $0x3  }
0x33: {  	p0 =	seq.s32 s10, $0x1;
	s10 =	sld [smem:$0x3FB9];
	_ =	sdelay $0x3  }
0x34: {  	[smem:$0x3FB9] =	sst s10  }
0x35: {  	s10 =	sld [smem:$0x3FB8];
	_ =	sdelay $0x3  }
0x36: {  	p1 =	seq.s32 s10, $0x1;
	s10 =	sld [smem:$0x3FB9];
	_ =	sdelay $0x3  }
0x37: {  	[smem:$0x3FB9] =	sst s10  }
0x38: {  	s10 =	sld [smem:$0x3FBA]  }
0x39: {  	_ = 	snop;
	(pc) =	sbr.ind lr, $3  }
0x3a: {  	_ = 	snop  }
0x3b: {  	_ = 	snop  }
0x3c: {  	p2 =	seq.s32 s10, $0x1;
	s10 =	sld [smem:$0x3FB9]  }
0x3d: {  	_ =	shalt  }
0x3e: {  	_ =	shalt  }
0x3f: {  	_ =	shalt  }
0x40: {  	_ =	shalt  }
0x41: {  	_ =	shalt  }
0x42: {  	_ =	shalt  }
0x43: {  	_ =	shalt  }
0x44: {  	_ =	shalt  }
0x45: {  	_ =	shalt  }
0x46: {  	_ =	shalt  }
0x47: {  	_ =	shalt  }
0x48: {  	_ =	shalt  }
0x49: {  	_ =	shalt  }
0x4a: {  	_ =	shalt  }
0x4b: {  	_ =	shalt  }
0x4c: {  	_ =	shalt  }
0x4d: {  	_ =	shalt  }
0x4e: {  	_ =	shalt  }
0x4f: {  	_ =	shalt  }
0x50: {  	_ =	shalt  }
0x51: {  	_ =	shalt  }
0x52: {  	_ =	shalt  }
0x53: {  	_ =	shalt  }
0x54: {  	_ =	shalt  }
0x55: {  	_ =	shalt  }
0x56: {  	_ =	shalt  }
0x57: {  	_ =	shalt  }
0x58: {  	_ =	shalt  }
0x59: {  	_ =	shalt  }
0x5a: {  	_ =	shalt  }
0x5b: {  	_ =	shalt  }
0x5c: {  	_ =	shalt  }
0x5d: {  	_ =	shalt  }
0x5e: {  	_ =	shalt  }
0x5f: {  	_ =	shalt  }
0x60: {  	_ =	shalt  }
0x61: {  	_ =	shalt  }
0x62: {  	_ =	shalt  }
0x63: {  	_ =	shalt  }
0x64: {  	_ =	shalt  }
0x65: {  	_ =	shalt  }
0x66: {  	_ =	shalt  }
0x67: {  	_ =	shalt  }
0x68: {  	_ =	shalt  }
0x69: {  	_ =	shalt  }
0x6a: {  	_ =	shalt  }
0x6b: {  	_ =	shalt  }
0x6c: {  	_ =	shalt  }
0x6d: {  	_ =	shalt  }
0x6e: {  	_ =	shalt  }
0x6f: {  	_ =	shalt  }
0x70: {  	_ =	shalt  }
0x71: {  	_ =	shalt  }
0x72: {  	_ =	shalt  }
0x73: {  	_ =	shalt  }
0x74: {  	_ =	shalt  }
0x75: {  	_ =	shalt  }
0x76: {  	_ =	shalt  }
0x77: {  	_ =	shalt  }
0x78: {  	_ =	shalt  }
0x79: {  	_ =	shalt  }
0x7a: {  	_ =	shalt  }
0x7b: {  	_ =	shalt  }
0x7c: {  	_ =	shalt  }
0x7d: {  	_ =	shalt  }
0x7e: {  	_ =	shalt  }
0x7f: {  	_ =	shalt  }
0x80: {  	_ =	shalt  }
0x81: {  	_ =	shalt  }
0x82: {  	_ =	shalt  }
0x83: {  	_ =	shalt  }
0x84: {  	_ =	shalt  }
0x85: {  	_ =	shalt  }
0x86: {  	_ =	shalt  }
0x87: {  	_ =	shalt  }
.Lfunc_end0:
.L_simem_size_0:
called_computation_lowered:
.L_overlay_start_0:
0x88: {  	s2 =	sld [smem:$0x3FD9]  }
0x89: {  	s3 =	sld [smem:$0x3FFE];
	_ =	sdelay $0x1  }
0x8a: {  	s1 =	srdreg.scid  }
0x8b: {  	s0 =	sand.u32 $0x1, s1  }
0x8c: {  	s17 =	sshll.u32 s0, $0xA;
	s2 =	sadd.s32 s3, s2  }
0x8d: {  	s2 =	sadd.s32 s2, s17  }
0x8e: {  	[smem:$0x3FC5] =	sst s2  }
0x8f: {  	_ = 	snop  }
0x90: {  	s2 =	sld [smem:$0x3FD0];
	(tm) =	ssettm $0x1  }
0x91: {  	s18 =	sld [smem:$0x3FFB];
	_ =	sdelay $0x3  }
0x92: {  	_ =	strace s18  }
0x93: {  	s3 =	sld [smem:$0x3FFC];
	_ =	sdelay $0x3  }
0x94: {  	_ =	strace s3  }
0x95: {  	s3 =	sld [smem:$0x3FFD];
	_ =	sdelay $0x3  }
0x96: {  	_ =	strace s3  }
0x97: {  	_ =	strace $0x8FFFFFFF  }
0x98: {  	s19 =	sld [smem:$0x3FDB];
	_ =	sdelay $0x1  }
0x99: {  	s4 =	simm.s32 $_scs_section_size  }
0x9a: {  	s5 =	simm.s32 $_size__tile_overlayer_lowered;
	s6 =	simm.s32 $_tile_overlayer_lowered  }
0x9b: {  	s22 =	simm.s32 $0x1BFF;
	s21 =	sshll.u32 s6, $0x1;
	s3 =	sadd.s32 s4, s19  }
0x9c: {  	s7 =	simm.s32 $0x0;
	s20 =	sshll.u32 s5, $0x1;
	s5 =	sadd.s32 s21, s3  }
0x9d: {  	[timem:s7], [sflag:s22] =	dma.local [hbm:s5], s20  }
0x9e: {  	_ =	swait.ge [sflag:s22], s20  }
0x9f: {  	s4 =	ssub.s32 $0x0, s20;
	[sflag:s22] =	ssyncset.done $0x0  }
0xa0: {  	[sflag:s22] =	ssyncadd.s32 s4;
	_ =	sdelay $0x1  }
0xa1: {  	s23 =	simm.s32 $0x1B8B  }
0xa2: {  	_ =	swait.ge [sflag:s23], $0x1  }
0xa3: {  	[sflag:s23] =	ssyncset.done $0x0  }
0xa4: {  	s25 =	simm.s32 $0x1B8E;
	s24 =	sld [smem:$0x3FFE];
	[sflag:s23] =	ssyncadd.s32 $0xFFFFFFFF  }
0xa5: {  	s26 =	simm.s32 $execute0_lowered;
	[smem:$0x3FD2] =	sst s25  }
0xa6: {  	s5 =	sshll.u32 s26, $0x1;
	_ =	strace $0x80000046;
	[dreg:$0x1] =	wrdreg $0xFFFFFFFF  }
0xa7: {  	s28 =	simm.s32 $_size_execute0_lowered;
	s3 =	sadd.s32 s3, s5;
	[dreg:$0x0] =	wrdreg $0x0  }
0xa8: {  	s5 =	sshll.u32 s28, $0x1;
	[dreg:$0x2] =	wrdreg s3  }
0xa9: {  	[dreg:$0x3] =	wrdreg s5  }
0xaa: {  	[dreg:$0x4] =	wrdreg $0xC0  }
0xab: {  	_ =	task [dreg:s7], $0x5FFFF  }
0xac: {  	[dreg:$0x1] =	wrdreg $0xFFFFFFFF  }
0xad: {  	[dreg:$0x0] =	wrdreg $0x60  }
0xae: {  	[dreg:$0x2] =	wrdreg s24  }
0xaf: {  	[dreg:$0x3] =	wrdreg s2  }
0xb0: {  	[dreg:$0x4] =	wrdreg $0x9  }
0xb1: {  	_ =	task.clear_ibuf [dreg:s7], $0x5FFFF;
	_ =	strace $0x90000046  }
0xb2: {  	s29 =	simm.s32 $0x9;
	_ =	strace $0x80000048  }
0xb3: {  	_ =	swait.ge [sflag:s29], $0x1  }
0xb4: {  	[sflag:s29] =	ssyncadd.s32 $0xFFFFFFFF  }
0xb5: {  	_ =	strace $0x90000048  }
0xb6: {  	_ =	sfence  }
0xb7: {  	s30 =	sld [smem:$0x0];
	_ =	sdelay $0x2  }
0xb8: {  	s31 =	sshll.u32 s1, $0xD;
	s1 =	sshrl.u32 s1, $0x2  }
0xb9: {  	s3 =	sand.u32 $0x4000, s31;
	s1 =	sadd.s32 s1, s30  }
0xba: {  	s0 =	sor.u32 s3, s0;
	s1 =	sshll.u32 s1, $0x11  }
0xbb: {  	s0 =	sor.u32 s1, s0  }
0xbc: {  	s0 =	sadd.s32 $0x8F2B, s0  }
0xbd: {  	[sflag:s0] =	ssyncadd.remote.s32 $0x1  }
0xbe: {  	_ =	sfence.sel $0xFFFF  }
0xbf: {  	[dreg:$0x0] =	wrdreg $0xFFFFFFFF;
	(pc) =	sbr.abs _section_cstart, $3  }
0xc0: {  	[dreg:$0x1] =	wrdreg $0xFFFFFFFF  }
0xc1: {  	_ =	task.clear_ibuf [dreg:s7], $0x2FFFF;
	_ =	strace $0x9FFFFFFF  }
0xc2: {  	(tm) =	ssettm $0x7FFFFFFF  }
0xc3: {  	_ =	shalt  }
tec
execute0_lowered:
.L_overlay_start_1:
0x0: {  	(tag) =	ssettag $0x1  }
0x1: {  	s1 =	srdreg.scid  }
0x2: {  	s0 =	stileid.u32;
	s5 =	rddreg [dreg:$0x0]  }
0x3: {  	s2 =	rddreg [dreg:$0x1];
	s3 =	simm.s32 $0x0;
	s9 =	simm.s32 $0x320  }
0x4: {  	s10 =	simm.s32 $0x32000;
	s6 =	sand.u32 $0x1, s1;
	s31 =	sshll.u32 s0, $0x1  }
0x5: {  	s11 =	simm.s32 $0x3840;
	s12 =	simm.s32 $0x5140;
	s4 =	sor.u32 s6, s31  }
0x6: {  	s13 =	simm.s32 $0x2;
	s1 =	rddreg [dreg:$0x2];
	s4 =	smul.u32 $0x1900, s4  }
0x7: {  	s14 =	simm.s32 $0x0;
	[smem:$0x7FF] =	sst s3;
	s6 =	ssub.s32 $0x2, s6  }
0x8: {  	_ =	strace $0x80000047;
	s8 =	sshrl.u32 s6, $0x1;
	s7 =	sshrl.u32 s4, $0x3  }
0x9: {  	s8 =	ssub.s32 s6, s8;
	s7 =	sadd.s32 s7, s5;
	s5 =	sadd.s32 $0x600, s5  }
0xa: {  	s6 =	sadd.s32 $0xA00, s7;
	s7 =	smax.u32 s8, $0x1;
	s8 =	simm.s32 $0x1  }
.LBB2_1:
0xb: {  	[tilespmem:s3], [sflag:$0x1] =	stream.linear.gather [hbm4b:s5+s3], $0x1F40, $0x38;
	[tilespmem:$0x6A40] =	vst v63  }
0xc: {  	s15 =	simm.s32 $0x1F40  }
0xd: {  	[tilespmem:s15], [sflag:$0x1] =	stream.linear.gather [hbm4b:s6+s3], $0x1900, $0x38;
	[tilespmem:$0x6A40] =	vst v63  }
0xe: {  	_ =	swait.ge [sflag:s8], $0x1F40  }
0xf: {  	[sflag:s8] =	ssyncset.done $0x0  }
0x10: {  	[sflag:s8] =	ssyncadd.s32 $0xFFFFE0C0  }
0x11: {  	_ =	swait.ge [sflag:s8], $0x1900  }
0x12: {  	[sflag:s8] =	ssyncset.done $0x0  }
0x13: {  	s16 =	simm.s32 $0x2260;
	s17 =	simm.s32 $0x0;
	[sflag:s8] =	ssyncadd.s32 $0xFFFFE700  }
.LBB2_2:
0x14: {  	p0 =	seq.s32 s17, $0x0  }
0x15: {  	s18 =	simm.s32 @!p0 $0x2  }
0x16: {  	_ =	swait.ge @!p0 [sflag:s18], $0x1900  }
0x17: {  	v0 =	vmov s15;
	[sflag:s18] =	ssyncset.done @!p0 $0x0  }
0x18: {  	[sflag:s18] =	ssyncadd.s32 @!p0 $0xFFFFE700  }
0x19: {  	_ =	swait.ge @!p0 [sflag:s18], $0x1900  }
0x1a: {  	[sflag:s18] =	ssyncset.done @!p0 $0x0  }
0x1b: {  	[sflag:s18] =	ssyncadd.s32 @!p0 $0xFFFFE700;
	s18 =	simm.s32 $0x0  }
0x1c: {  	v1 =	vld.idx.msk [tilespmem:v0+s18+$0x0 ss:$0x1], $0xffff;
	_ =	sdelay $0x4  }
0x1d: {  	v1 =	vshll.u32 v1, $0x3;
	_ =	sdelay $0x4  }
0x1e: {  	v2 =	vld.idx.msk [tilespmem:v1+s3+$0x0], $0xffff  }
0x1f: {  	v3 =	vor.u32 $0x1, v1;
	_ =	sdelay $0x3  }
0x20: {  	[tilespmem:s18+$0x3840] =	vst v2  }
0x21: {  	v2 =	vld.idx.msk [tilespmem:v3+s3+$0x0], $0xffff  }
0x22: {  	v3 =	vor.u32 $0x2, v1;
	_ =	sdelay $0x3  }
0x23: {  	[tilespmem:s18+$0x3B60] =	vst v2  }
0x24: {  	v2 =	vld.idx.msk [tilespmem:v3+s3+$0x0], $0xffff  }
0x25: {  	v3 =	vor.u32 $0x3, v1;
	_ =	sdelay $0x3  }
0x26: {  	[tilespmem:s18+$0x3E80] =	vst v2  }
0x27: {  	v2 =	vld.idx.msk [tilespmem:v3+s3+$0x0], $0xffff  }
0x28: {  	v3 =	vor.u32 $0x4, v1;
	_ =	sdelay $0x3  }
0x29: {  	[tilespmem:s18+$0x41A0] =	vst v2  }
0x2a: {  	v2 =	vld.idx.msk [tilespmem:v3+s3+$0x0], $0xffff  }
0x2b: {  	v3 =	vor.u32 $0x5, v1;
	_ =	sdelay $0x3  }
0x2c: {  	[tilespmem:s18+$0x44C0] =	vst v2  }
0x2d: {  	v2 =	vld.idx.msk [tilespmem:v3+s3+$0x0], $0xffff  }
0x2e: {  	v3 =	vor.u32 $0x6, v1;
	_ =	sdelay $0x3  }
0x2f: {  	[tilespmem:s18+$0x47E0] =	vst v2  }
0x30: {  	v2 =	vld.idx.msk [tilespmem:v3+s3+$0x0], $0xffff  }
0x31: {  	v1 =	vor.u32 $0x7, v1;
	_ =	sdelay $0x3  }
0x32: {  	[tilespmem:s18+$0x4B00] =	vst v2  }
0x33: {  	s19 =	simm.s32 $0x40;
	s20 =	simm.s32 $0x80;
	v1 =	vld.idx.msk [tilespmem:v1+s3+$0x0], $0xffff  }
.LBB2_3:
0x34: {  	_ =	sdelay $0x2  }
0x35: {  	p0 =	sne.s32 s20, $0xC40  }
0x36: {  	[tilespmem:s18+$0x4E20] =	vst v1;
	s18 =	sshra.s32 s19, $0x2;
	s19 =	smov.u32 s20;
	s20 =	sadd.s32 $0x40, s20  }
0x37: {  	v1 =	vld.idx.msk [tilespmem:v0+s18+$0x0 ss:$0x1], $0xffff;
	_ =	sdelay $0x5  }
0x38: {  	v1 =	vshll.u32 v1, $0x3;
	_ =	sdelay $0x4  }
0x39: {  	v2 =	vld.idx.msk [tilespmem:v1+s3+$0x0], $0xffff;
	_ =	sdelay $0x1  }
0x3a: {  	v3 =	vor.u32 $0x1, v1;
	_ =	sdelay $0x3  }
0x3b: {  	[tilespmem:s18+$0x3840] =	vst v2  }
0x3c: {  	v2 =	vld.idx.msk [tilespmem:v3+s3+$0x0], $0xffff;
	_ =	sdelay $0x1  }
0x3d: {  	v3 =	vor.u32 $0x2, v1;
	_ =	sdelay $0x3  }
0x3e: {  	[tilespmem:s18+$0x3B60] =	vst v2  }
0x3f: {  	v2 =	vld.idx.msk [tilespmem:v3+s3+$0x0], $0xffff;
	_ =	sdelay $0x1  }
0x40: {  	v3 =	vor.u32 $0x3, v1;
	_ =	sdelay $0x3  }
0x41: {  	[tilespmem:s18+$0x3E80] =	vst v2  }
0x42: {  	v2 =	vld.idx.msk [tilespmem:v3+s3+$0x0], $0xffff;
	_ =	sdelay $0x1  }
0x43: {  	v3 =	vor.u32 $0x4, v1;
	_ =	sdelay $0x3  }
0x44: {  	[tilespmem:s18+$0x41A0] =	vst v2  }
0x45: {  	v2 =	vld.idx.msk [tilespmem:v3+s3+$0x0], $0xffff;
	_ =	sdelay $0x1  }
0x46: {  	v3 =	vor.u32 $0x5, v1;
	_ =	sdelay $0x3  }
0x47: {  	[tilespmem:s18+$0x44C0] =	vst v2  }
0x48: {  	v2 =	vld.idx.msk [tilespmem:v3+s3+$0x0], $0xffff;
	_ =	sdelay $0x1  }
0x49: {  	v3 =	vor.u32 $0x6, v1;
	_ =	sdelay $0x3  }
0x4a: {  	[tilespmem:s18+$0x47E0] =	vst v2  }
0x4b: {  	v2 =	vld.idx.msk [tilespmem:v3+s3+$0x0], $0xffff;
	_ =	sdelay $0x1  }
0x4c: {  	v1 =	vor.u32 $0x7, v1  }
.Ltmp0:
0x4d: {  	(pc) =	sbr.rel @p0 .LBB2_3-.Ltmp0, $3  }
0x4e: {  	_ =	sdelay $0x1  }
0x4f: {  	[tilespmem:s18+$0x4B00] =	vst v2  }
0x50: {  	v1 =	vld.idx.msk [tilespmem:v1+s3+$0x0], $0xffff  }
0x51: {  	_ =	sdelay $0x3  }
0x52: {  	s19 =	sshra.s32 s19, $0x2;
	[tilespmem:s18+$0x4E20] =	vst v1  }
0x53: {  	v0 =	vld.idx.msk [tilespmem:v0+s19+$0x0 ss:$0x1], $0xffff;
	_ =	sdelay $0x4  }
0x54: {  	v0 =	vshll.u32 v0, $0x3;
	_ =	sdelay $0x4  }
0x55: {  	v1 =	vld.idx.msk [tilespmem:v0+s3+$0x0], $0xffff  }
0x56: {  	v2 =	vor.u32 $0x1, v0;
	_ =	sdelay $0x3  }
0x57: {  	[tilespmem:s19+$0x3840] =	vst v1  }
0x58: {  	v1 =	vld.idx.msk [tilespmem:v2+s3+$0x0], $0xffff  }
0x59: {  	v2 =	vor.u32 $0x2, v0;
	_ =	sdelay $0x3  }
0x5a: {  	[tilespmem:s19+$0x3B60] =	vst v1  }
0x5b: {  	v1 =	vld.idx.msk [tilespmem:v2+s3+$0x0], $0xffff  }
0x5c: {  	v2 =	vor.u32 $0x3, v0;
	_ =	sdelay $0x3  }
0x5d: {  	[tilespmem:s19+$0x3E80] =	vst v1  }
0x5e: {  	v1 =	vld.idx.msk [tilespmem:v2+s3+$0x0], $0xffff  }
0x5f: {  	v2 =	vor.u32 $0x4, v0;
	_ =	sdelay $0x3  }
0x60: {  	[tilespmem:s19+$0x41A0] =	vst v1  }
0x61: {  	v1 =	vld.idx.msk [tilespmem:v2+s3+$0x0], $0xffff  }
0x62: {  	v2 =	vor.u32 $0x5, v0;
	_ =	sdelay $0x3  }
0x63: {  	[tilespmem:s19+$0x44C0] =	vst v1  }
0x64: {  	v1 =	vld.idx.msk [tilespmem:v2+s3+$0x0], $0xffff  }
0x65: {  	v2 =	vor.u32 $0x6, v0;
	_ =	sdelay $0x3  }
0x66: {  	[tilespmem:s19+$0x47E0] =	vst v1  }
0x67: {  	v1 =	vld.idx.msk [tilespmem:v2+s3+$0x0], $0xffff  }
0x68: {  	v0 =	vor.u32 $0x7, v0;
	_ =	sdelay $0x3  }
0x69: {  	[tilespmem:s19+$0x4B00] =	vst v1  }
0x6a: {  	v1 =	vld.idx.msk [tilespmem:v0+s3+$0x0], $0xffff  }
0x6b: {  	s31 =	smul.u32 $0x640, s17  }
0x6c: {  	v0 =	vmov s16  }
0x6d: {  	s18 =	sadd.s32 s4, s31  }
0x6e: {  	s18 =	sshrl.u32 s18, $0x3  }
0x6f: {  	s18 =	sadd.s32 s2, s18;
	[tilespmem:s19+$0x4E20] =	vst v1;
	s19 =	simm.s32 $0x0  }
0x70: {  	[hbm4b:s18+s9] =	stream.strided.scatter [tilespmem:s11], [sflag:$0x2], $0x1900, s10, s9, $0x38;
	[tilespmem:$0x6A40] =	vst v63  }
0x71: {  	v1 =	vld.idx.msk [tilespmem:v0+s19+$0x0 ss:$0x1], $0xffff;
	_ =	sdelay $0x4  }
0x72: {  	v1 =	vshll.u32 v1, $0x3;
	_ =	sdelay $0x4  }
0x73: {  	v2 =	vld.idx.msk [tilespmem:v1+s3+$0x0], $0xffff  }
0x74: {  	v3 =	vor.u32 $0x1, v1;
	_ =	sdelay $0x3  }
0x75: {  	[tilespmem:s19+$0x5140] =	vst v2  }
0x76: {  	v2 =	vld.idx.msk [tilespmem:v3+s3+$0x0], $0xffff  }
0x77: {  	v3 =	vor.u32 $0x2, v1;
	_ =	sdelay $0x3  }
0x78: {  	[tilespmem:s19+$0x5460] =	vst v2  }
0x79: {  	v2 =	vld.idx.msk [tilespmem:v3+s3+$0x0], $0xffff  }
0x7a: {  	v3 =	vor.u32 $0x3, v1;
	_ =	sdelay $0x3  }
0x7b: {  	[tilespmem:s19+$0x5780] =	vst v2  }
0x7c: {  	v2 =	vld.idx.msk [tilespmem:v3+s3+$0x0], $0xffff  }
0x7d: {  	v3 =	vor.u32 $0x4, v1;
	_ =	sdelay $0x3  }
0x7e: {  	[tilespmem:s19+$0x5AA0] =	vst v2  }
0x7f: {  	v2 =	vld.idx.msk [tilespmem:v3+s3+$0x0], $0xffff  }
0x80: {  	v3 =	vor.u32 $0x5, v1;
	_ =	sdelay $0x3  }
0x81: {  	[tilespmem:s19+$0x5DC0] =	vst v2  }
0x82: {  	v2 =	vld.idx.msk [tilespmem:v3+s3+$0x0], $0xffff  }
0x83: {  	v3 =	vor.u32 $0x6, v1;
	_ =	sdelay $0x3  }
0x84: {  	[tilespmem:s19+$0x60E0] =	vst v2  }
0x85: {  	v2 =	vld.idx.msk [tilespmem:v3+s3+$0x0], $0xffff  }
0x86: {  	v1 =	vor.u32 $0x7, v1;
	_ =	sdelay $0x3  }
0x87: {  	[tilespmem:s19+$0x6400] =	vst v2  }
0x88: {  	s20 =	simm.s32 $0x40;
	s21 =	simm.s32 $0x80;
	s18 =	sshllo.u32 s17, $0x1;
	v1 =	vld.idx.msk [tilespmem:v1+s3+$0x0], $0xffff  }
.LBB2_5:
0x89: {  	_ =	sdelay $0x2  }
0x8a: {  	p0 =	sne.s32 s21, $0xC40  }
0x8b: {  	[tilespmem:s19+$0x6720] =	vst v1;
	s19 =	sshra.s32 s20, $0x2;
	s20 =	smov.u32 s21;
	s21 =	sadd.s32 $0x40, s21  }
0x8c: {  	v1 =	vld.idx.msk [tilespmem:v0+s19+$0x0 ss:$0x1], $0xffff;
	_ =	sdelay $0x5  }
0x8d: {  	v1 =	vshll.u32 v1, $0x3;
	_ =	sdelay $0x4  }
0x8e: {  	v2 =	vld.idx.msk [tilespmem:v1+s3+$0x0], $0xffff;
	_ =	sdelay $0x1  }
0x8f: {  	v3 =	vor.u32 $0x1, v1;
	_ =	sdelay $0x3  }
0x90: {  	[tilespmem:s19+$0x5140] =	vst v2  }
0x91: {  	v2 =	vld.idx.msk [tilespmem:v3+s3+$0x0], $0xffff;
	_ =	sdelay $0x1  }
0x92: {  	v3 =	vor.u32 $0x2, v1;
	_ =	sdelay $0x3  }
0x93: {  	[tilespmem:s19+$0x5460] =	vst v2  }
0x94: {  	v2 =	vld.idx.msk [tilespmem:v3+s3+$0x0], $0xffff;
	_ =	sdelay $0x1  }
0x95: {  	v3 =	vor.u32 $0x3, v1;
	_ =	sdelay $0x3  }
0x96: {  	[tilespmem:s19+$0x5780] =	vst v2  }
0x97: {  	v2 =	vld.idx.msk [tilespmem:v3+s3+$0x0], $0xffff;
	_ =	sdelay $0x1  }
0x98: {  	v3 =	vor.u32 $0x4, v1;
	_ =	sdelay $0x3  }
0x99: {  	[tilespmem:s19+$0x5AA0] =	vst v2  }
0x9a: {  	v2 =	vld.idx.msk [tilespmem:v3+s3+$0x0], $0xffff;
	_ =	sdelay $0x1  }
0x9b: {  	v3 =	vor.u32 $0x5, v1;
	_ =	sdelay $0x3  }
0x9c: {  	[tilespmem:s19+$0x5DC0] =	vst v2  }
0x9d: {  	v2 =	vld.idx.msk [tilespmem:v3+s3+$0x0], $0xffff;
	_ =	sdelay $0x1  }
0x9e: {  	v3 =	vor.u32 $0x6, v1;
	_ =	sdelay $0x3  }
0x9f: {  	[tilespmem:s19+$0x60E0] =	vst v2  }
0xa0: {  	v2 =	vld.idx.msk [tilespmem:v3+s3+$0x0], $0xffff;
	_ =	sdelay $0x1  }
0xa1: {  	v1 =	vor.u32 $0x7, v1  }
.Ltmp1:
0xa2: {  	(pc) =	sbr.rel @p0 .LBB2_5-.Ltmp1, $3  }
0xa3: {  	_ =	sdelay $0x1  }
0xa4: {  	[tilespmem:s19+$0x6400] =	vst v2  }
0xa5: {  	v1 =	vld.idx.msk [tilespmem:v1+s3+$0x0], $0xffff  }
0xa6: {  	_ =	sdelay $0x3  }
0xa7: {  	s20 =	sshra.s32 s20, $0x2;
	[tilespmem:s19+$0x6720] =	vst v1  }
0xa8: {  	v0 =	vld.idx.msk [tilespmem:v0+s20+$0x0 ss:$0x1], $0xffff;
	_ =	sdelay $0x4  }
0xa9: {  	v0 =	vshll.u32 v0, $0x3;
	_ =	sdelay $0x4  }
0xaa: {  	v1 =	vld.idx.msk [tilespmem:v0+s3+$0x0], $0xffff  }
0xab: {  	v2 =	vor.u32 $0x1, v0;
	_ =	sdelay $0x3  }
0xac: {  	[tilespmem:s20+$0x5140] =	vst v1  }
0xad: {  	v1 =	vld.idx.msk [tilespmem:v2+s3+$0x0], $0xffff  }
0xae: {  	v59 =	vor.u32 $0x2, v0;
	_ =	sdelay $0x3  }
0xaf: {  	[tilespmem:s20+$0x5460] =	vst v1  }
0xb0: {  	v1 =	vld.idx.msk [tilespmem:v59+s3+$0x0], $0xffff  }
0xb1: {  	v60 =	vor.u32 $0x3, v0;
	_ =	sdelay $0x3  }
0xb2: {  	[tilespmem:s20+$0x5780] =	vst v1  }
0xb3: {  	v1 =	vld.idx.msk [tilespmem:v60+s3+$0x0], $0xffff  }
0xb4: {  	v61 =	vor.u32 $0x4, v0;
	_ =	sdelay $0x3  }
0xb5: {  	[tilespmem:s20+$0x5AA0] =	vst v1  }
0xb6: {  	v1 =	vld.idx.msk [tilespmem:v61+s3+$0x0], $0xffff  }
0xb7: {  	v62 =	vor.u32 $0x5, v0;
	_ =	sdelay $0x3  }
0xb8: {  	[tilespmem:s20+$0x5DC0] =	vst v1  }
0xb9: {  	v1 =	vld.idx.msk [tilespmem:v62+s3+$0x0], $0xffff  }
0xba: {  	v63 =	vor.u32 $0x6, v0;
	_ =	sdelay $0x3  }
0xbb: {  	[tilespmem:s20+$0x60E0] =	vst v1  }
0xbc: {  	v1 =	vld.idx.msk [tilespmem:v63+s3+$0x0], $0xffff  }
0xbd: {  	v0 =	vor.u32 $0x7, v0;
	_ =	sdelay $0x3  }
0xbe: {  	[tilespmem:s20+$0x6400] =	vst v1  }
0xbf: {  	s17 =	sadd.s32 $0x1, s17;
	v0 =	vld.idx.msk [tilespmem:v0+s3+$0x0], $0xffff  }
0xc0: {  	s18 =	smul.u32 $0x320, s18;
	p0 =	sne.s32 s17, $0x4  }
.Ltmp2:
0xc1: {  	_ = 	snop;
	(pc) =	sbr.rel @p0 .LBB2_2-.Ltmp2, $4  }
0xc2: {  	s18 =	sadd.s32 s4, s18  }
0xc3: {  	s18 =	sshrl.u32 s18, $0x3  }
0xc4: {  	s15 =	sadd.s32 $0x640, s15;
	s16 =	sadd.s32 $0x640, s16;
	s18 =	sadd.s32 s2, s18;
	[tilespmem:s20+$0x6720] =	vst v0  }
0xc5: {  	[hbm4b:s18+s9] =	stream.strided.scatter [tilespmem:s12], [sflag:$0x2], $0x1900, s10, s9, $0x38;
	[tilespmem:$0x6A40] =	vst v63  }
0xc6: {  	s14 =	sadd.s32 $0x1, s14  }
0xc7: {  	_ =	swait.ge [sflag:s13], $0x1900;
	p0 =	sne.s32 s14, s7  }
.Ltmp3:
0xc8: {  	[sflag:s13] =	ssyncset.done $0x0;
	(pc) =	sbr.rel @p0 .LBB2_1-.Ltmp3, $4  }
0xc9: {  	[sflag:s13] =	ssyncadd.s32 $0xFFFFE700  }
0xca: {  	_ =	swait.ge [sflag:s13], $0x1900  }
0xcb: {  	[sflag:s13] =	ssyncset.done $0x0  }
0xcc: {  	[sflag:s13] =	ssyncadd.s32 $0xFFFFE700  }
0xcd: {  	_ =	sfence.sel $0x180000  }
0xce: {  	[bflag:$0x0] =	sbarrier.arrive $0xFFFF  }
0xcf: {  	p0 =	sne.s32 s0, $0x0;
	_ =	strace $0x90000047  }
0xd0: {  	s0 =	sadd.s32 @!p0 $0x100000, s1;
	[bflag:$0x2] =	sbarrier.arrive $0xFFFF  }
0xd1: {  	[sflag:s0] =	ssyncadd.tile.s32 @!p0 $0x1;
	_ =	shalt  }
.Lfunc_end2:
_tile_overlayer_lowered:
.L_overlay_start_2:
0xd2: {  	(tag) =	ssettag $0x2  }
0xd3: {  	s0 =	rddreg [dreg:$0x0];
	s2 =	stileid.u32  }
0xd4: {  	s1 =	rddreg [dreg:$0x1];
	p0 =	sne.s32 s2, $0x0  }
0xd5: {  	s3 =	rddreg [dreg:$0x2];
	[bflag:$0x3] =	sbarrier.arrive $0xFFFF;
	s2 =	simm.s32 @!p0 $0x1C03  }
0xd6: {  	[timem:s3], [sflag:s2] =	dma.local @!p0 [hbm:s0], s1  }
0xd7: {  	s0 =	simm.s32 @!p0 $0x3  }
0xd8: {  	_ =	swait.ge @!p0 [sflag:s0], s1  }
0xd9: {  	s1 =	ssub.s32 @!p0 $0x0, s1;
	[sflag:s0] =	ssyncset.done @!p0 $0x0  }
0xda: {  	[sflag:s0] =	ssyncadd.s32 @!p0 s1  }
0xdb: {  	[bflag:$0x3] =	sbarrier.arrive $0xFFFF  }
0xdc: {  	_ =	shalt  }

</sc_bundles>
